<compile_context>
chip_gen: v7x
topology: tpu7x:2x2x1
jax: 0.10.2.dev20260603
libtpu: 0.0.44.dev20260713+nightly
codegen_flags: <defaults>
</compile_context>

<pallas_src>
import functools

import jax
import jax.numpy as jnp
from jax import lax
from jax.experimental import pallas as pl
from jax.experimental.pallas import tpu as pltpu
from jax.experimental.pallas import tpu_sc as plsc

_N = 10000
_E = 320000
_D = 128
_K = 5000
_NACC = 10240
_KACC = 5120
_CH = 128
_NCH = 80
_EPW = _CH * _NCH
_EPAD = 32 * _EPW



_DH = 64


def _seg_add_body(nacc, weighted, *refs):
    if weighted:
        (table_h, srcp_h, dstp_h, wp_h, out_h,
         sidx, didx, wv, rows0, rows1, acc, sem0, sem1) = refs
    else:
        (table_h, srcp_h, dstp_h, out_h,
         sidx, didx, rows0, rows1, acc, sem0, sem1) = refs
    cid = lax.axis_index("c")
    sid = lax.axis_index("s")
    wid = sid * 2 + cid
    rps = nacc // 16

    pltpu.sync_copy(srcp_h.at[wid], sidx)
    pltpu.sync_copy(dstp_h.at[wid], didx)

    zv = jnp.zeros((16,), jnp.float32)

    def zrow(i, c):
        for jj in range(_DH // 16):
            rows0[i, pl.ds(jj * 16, 16)] = zv
        return c

    lax.fori_loop(0, _CH, zrow, 0)

    def zacc(t, c):
        pltpu.sync_copy(rows0.at[pl.ds(0, 64)],
                        acc.at[pl.ds(sid * rps + t * 64, 64)])
        return c

    lax.fori_loop(0, rps // 64, zacc, 0)
    plsc.subcore_barrier()

    pltpu.async_copy(table_h.at[sidx.at[0]], rows0, sem0)
    pltpu.async_copy(table_h.at[sidx.at[1]], rows1, sem1)

    def chunk(i, c):
        for b in range(2):
            rows = rows0 if b == 0 else rows1
            sem = sem0 if b == 0 else sem1
            j = i * 2 + b
            pltpu.make_async_copy(table_h.at[sidx.at[j]], rows, sem).wait()
            if weighted:
                pltpu.sync_copy(wp_h.at[wid, pl.ds(j * _CH, _CH)], wv)
                for r in range(_CH):
                    w16 = wv[r, :]
                    for jj in range(_DH // 16):
                        rows[r, pl.ds(jj * 16, 16)] = (
                            rows[r, pl.ds(jj * 16, 16)] * w16)
            pltpu.sync_copy(rows, acc.at[didx.at[j]], add=True)
            nj = j + 2

            @pl.when(nj < _NCH)
            def _():
                pltpu.async_copy(table_h.at[sidx.at[nj]], rows, sem)
        return c

    lax.fori_loop(0, _NCH // 2, chunk, 0)
    plsc.subcore_barrier()
    pltpu.sync_copy(acc.at[pl.ds(sid * rps, rps)],
                    out_h.at[cid, pl.ds(sid * rps, rps)])


@functools.partial(jax.jit, static_argnames=("nacc",))
def _sc_seg_add_h(table_h64, srcp3, dstp3, wp3=None, *, nacc):
    weighted = wp3 is not None
    mesh = plsc.VectorSubcoreMesh(core_axis_name="c", subcore_axis_name="s")
    scratch = [
        pltpu.VMEM((_NCH, _CH), jnp.int32),
        pltpu.VMEM((_NCH, _CH), jnp.int32),
    ]
    if weighted:
        scratch.append(pltpu.VMEM((_CH, 16), jnp.float32))
    scratch += [
        pltpu.VMEM((_CH, _DH), jnp.float32),
        pltpu.VMEM((_CH, _DH), jnp.float32),
        pltpu.VMEM_SHARED((nacc, _DH), jnp.float32),
        pltpu.SemaphoreType.DMA,
        pltpu.SemaphoreType.DMA,
    ]
    body = functools.partial(_seg_add_body, nacc, weighted)
    args = (table_h64, srcp3, dstp3) + ((wp3,) if weighted else ())
    return pl.kernel(
        body,
        out_type=jax.ShapeDtypeStruct((2, nacc, _DH), jnp.float32),
        mesh=mesh,
        scratch_types=scratch,
        compiler_params=pltpu.CompilerParams(use_tc_tiling_on_sc=False),
    )(*args)


def _sc_seg_add(table, srcp3, dstp3, wp3=None, *, nacc):
    lo = _sc_seg_add_h(table[:, :_DH], srcp3, dstp3, wp3, nacc=nacc)
    hi = _sc_seg_add_h(table[:, _DH:], srcp3, dstp3, wp3, nacc=nacc)
    return lo, hi



def _tc(body, out_shape, *args):
    return pl.pallas_call(body, out_shape=out_shape)(*args)


def _tc1_body(x_ref, w_ref, indeg_ref, m1_ref, dinv_ref):
    dinv = lax.rsqrt(indeg_ref[...] + 1.0)
    dinv_ref[...] = dinv
    m1_ref[...] = jnp.dot(x_ref[...], w_ref[...],
                          preferred_element_type=jnp.float32) * dinv


def _acc_cat(lo_ref, hi_ref, n):
    return jnp.concatenate([lo_ref[0, :n, :] + lo_ref[1, :n, :],
                            hi_ref[0, :n, :] + hi_ref[1, :n, :]], axis=1)


def _tc2_body(acclo_ref, acchi_ref, m1_ref, dinv_ref, b_ref,
              xr_ref, h1_ref, g1_ref):
    s = _acc_cat(acclo_ref, acchi_ref, _N) + m1_ref[...]
    h1 = dinv_ref[...] * s + b_ref[...]
    h1_ref[...] = h1
    xr = jax.nn.relu(h1)
    xr_ref[pl.ds(0, _N), :] = xr
    xr_ref[pl.ds(_N, _NACC - _N), :] = jnp.zeros((_NACC - _N, _D), jnp.float32)
    g1_ref[...] = jnp.concatenate(
        [jnp.max(xr, axis=0, keepdims=True),
         jnp.sum(xr, axis=0, keepdims=True) / _N], axis=1)


def _tc3_body(h1_ref, xr_ref, w1_ref, b1_ref, w2_ref, b2_ref,
              g0_ref, p1_ref):
    w1 = w1_ref[...]
    b1 = b1_ref[...]
    w2 = w2_ref[...]
    b2 = b2_ref[...]
    s0 = jnp.sum(jax.nn.relu(jnp.dot(h1_ref[...], w1,
                                     preferred_element_type=jnp.float32) + b1),
                 axis=0, keepdims=True)
    g0_ref[...] = jnp.dot(s0, w2, preferred_element_type=jnp.float32) + _N * b2
    s1 = jnp.sum(jax.nn.relu(jnp.dot(xr_ref[:_N, :], w1,
                                     preferred_element_type=jnp.float32) + b1),
                 axis=0, keepdims=True)
    p1_ref[...] = jnp.dot(s1, w2, preferred_element_type=jnp.float32) + _N * b2


def _tc4_body(xq_ref, xr_ref, wlin_ref, v_ref, c0_ref, abp_ref):
    a = jnp.dot(xq_ref[:_N, :], wlin_ref[...],
                preferred_element_type=jnp.float32) + c0_ref[0, 0]
    b = jnp.dot(xr_ref[:_N, :], v_ref[...], preferred_element_type=jnp.float32)
    ps = jnp.exp(jax.nn.leaky_relu(a + b, 0.2))
    abp_ref[...] = jnp.concatenate([a, b, ps], axis=1)


def _tc5_body(xnlo_ref, xnhi_ref, xr_ref, sc_ref, lw_ref,
              xn_ref, abc_ref):
    xn = (_acc_cat(xnlo_ref, xnhi_ref, _N) + xr_ref[:_N, :] * sc_ref[...])
    xn_ref[...] = xn
    abc_ref[...] = jnp.dot(xn, lw_ref[...], preferred_element_type=jnp.float32)


def _tc6_body(x1_ref, w_ref, deg2_ref, m2_ref, dinv2_ref):
    dinv2 = lax.rsqrt(deg2_ref[...])
    dinv2_ref[...] = dinv2
    m2 = jnp.dot(x1_ref[...], w_ref[...],
                 preferred_element_type=jnp.float32) * dinv2
    m2_ref[pl.ds(0, _K), :] = m2
    m2_ref[pl.ds(_K, _KACC - _K), :] = jnp.zeros((_KACC - _K, _D), jnp.float32)


def _tc7_body(acclo_ref, acchi_ref, m2_ref, dinv2_ref, b_ref,
              nw1_ref, nb1_ref, nw2_ref, nb2_ref,
              pw1_ref, pb1_ref, pw2_ref, pb2_ref,
              qw1_ref, qb1_ref, qw2_ref, qb2_ref,
              e1_ref, e2_ref, tf_ref, g1_ref,
              out0_ref, g11_ref, g12_ref, p2_ref):
    x1g = (dinv2_ref[...]
           * (_acc_cat(acclo_ref, acchi_ref, _K) + 2.0 * m2_ref[:_K, :])
           + b_ref[...])
    nz1 = jax.nn.relu(jnp.dot(x1g, nw1_ref[...],
                              preferred_element_type=jnp.float32) + nb1_ref[...])
    nz = jnp.dot(nz1, nw2_ref[...], preferred_element_type=jnp.float32) + nb2_ref[...]
    mean = nz[:, :_D]
    logvar = jnp.clip(nz[:, _D:], -30.0, 20.0)
    std = jnp.exp(0.5 * logvar)
    tf = tf_ref[0, 0]
    keep = tf > 0
    x11 = jnp.where(keep, (1.0 - tf) * x1g + tf * (mean + std * e1_ref[...]), x1g)
    x12 = jnp.where(keep, (1.0 - tf) * x1g + tf * (mean + std * e2_ref[...]), x1g)
    pw1 = pw1_ref[...]
    pb1 = pb1_ref[...]
    pw2 = pw2_ref[...]
    pb2 = pb2_ref[...]

    def psum(z, w1, b1, w2, b2):
        s = jnp.sum(jax.nn.relu(jnp.dot(z, w1,
                                        preferred_element_type=jnp.float32) + b1),
                    axis=0, keepdims=True)
        return jnp.dot(s, w2, preferred_element_type=jnp.float32) + _K * b2

    g11_ref[...] = psum(x11, pw1, pb1, pw2, pb2)
    g12_ref[...] = psum(x12, pw1, pb1, pw2, pb2)
    x1r = jax.nn.relu(x1g)
    g2 = jnp.concatenate([jnp.max(x1r, axis=0, keepdims=True),
                          jnp.sum(x1r, axis=0, keepdims=True) / _K], axis=1)
    out0_ref[...] = g1_ref[...] + g2
    p2_ref[...] = psum(x1r, qw1_ref[...], qb1_ref[...], qw2_ref[...], qb2_ref[...])



def _seg_sum(v, ids, n):
    return jax.ops.segment_sum(v, ids, num_segments=n)


def _pad_edges(v, fill):
    if isinstance(fill, (int, float)):
        tail = jnp.full((_EPAD - _E,), fill, v.dtype)
    else:
        tail = fill.astype(v.dtype)
    return jnp.concatenate([v, tail]).reshape(32, _NCH, _CH)


def _spread(n, base, span):
    return (base + jnp.arange(n, dtype=jnp.int32) % span)


def kernel(x, params, edge_index, batch, tradeoff):
    p = params
    f32 = jnp.float32
    src = edge_index[0]
    dst = edge_index[1]

    srcp3 = _pad_edges(src, 0)
    dstp3 = _pad_edges(dst, _spread(_EPAD - _E, _N, 224))

    indeg = _seg_sum(jnp.ones((_E,), f32), dst, _N)
    indeg_c = indeg[:, None]

    m1, dinv_c = _tc(
        _tc1_body,
        [jax.ShapeDtypeStruct((_N, _D), f32),
         jax.ShapeDtypeStruct((_N, 1), f32)],
        x, p['conv1_w'], indeg_c)

    acc1lo, acc1hi = _sc_seg_add(m1, srcp3, dstp3, nacc=_NACC)

    xrp, h1, g1 = _tc(
        _tc2_body,
        [jax.ShapeDtypeStruct((_NACC, _D), f32),
         jax.ShapeDtypeStruct((_N, _D), f32),
         jax.ShapeDtypeStruct((1, 2 * _D), f32)],
        acc1lo, acc1hi, m1, dinv_c, p['conv1_b'][None, :])

    g0, proj_1 = _tc(
        _tc3_body,
        [jax.ShapeDtypeStruct((1, _D), f32),
         jax.ShapeDtypeStruct((1, _D), f32)],
        h1, xrp, p['p1_w1'], p['p1_b1'][None, :], p['p1_w2'], p['p1_b2'][None, :])

    xr_n = xrp[:_N]
    accmax = jax.ops.segment_max(xr_n[src], dst, num_segments=_N)
    x_q_raw = jnp.maximum(accmax, xr_n)

    u = p['pool_att_w'][:_D, 0]
    v = p['pool_att_w'][_D:, 0]
    wlin = (p['pool_lin_w'] @ u)[:, None]
    c0 = (p['pool_lin_b'] @ u + p['pool_att_b'][0])[None, None]

    abp = _tc(
        _tc4_body,
        jax.ShapeDtypeStruct((_N, 3), f32),
        x_q_raw, xrp, wlin, v[:, None], c0)

    a_n = abp[:, 0]
    b_n = abp[:, 1]
    ps = abp[:, 2]
    pe = jnp.exp(jax.nn.leaky_relu(a_n[dst] + b_n[src], 0.2))
    qsum = _seg_sum(pe, dst, _N)
    rden = 1.0 / (qsum + ps + 1e-16)
    score_e = pe * rden[dst]

    wp3 = jnp.broadcast_to(
        _pad_edges(score_e, 0.0).reshape(32, _EPW)[:, :, None],
        (32, _EPW, 16)).astype(f32)
    xnlo, xnhi = _sc_seg_add(xrp, srcp3, dstp3, wp3, nacc=_NACC)

    lw = jnp.concatenate([p['le_w1'], p['le_w2'], p['le_w3']], axis=1)
    x_new, abc = _tc(
        _tc5_body,
        [jax.ShapeDtypeStruct((_N, _D), f32),
         jax.ShapeDtypeStruct((_N, 3), f32)],
        xnlo, xnhi, xrp, (ps * rden)[:, None], lw)

    a2 = abc[:, 0]
    bb2 = abc[:, 1]
    sumbb = _seg_sum(bb2[src], dst, _N) + bb2
    fit = jax.nn.sigmoid((indeg + 1.0) * a2 - sumbb + abc[:, 2] + p['le_b'][0])

    fitvals, perm = lax.top_k(fit, _K)
    x1 = x_new[perm] * fitvals[:, None]
    inv = jnp.full((_N,), -1, jnp.int32).at[perm].set(
        jnp.arange(_K, dtype=jnp.int32))
    ns = inv[src]
    nd = inv[dst]
    valid = (ns >= 0) & (nd >= 0)
    nsv = jnp.where(valid, ns, _spread(_E, _K, 112))
    ndv = jnp.where(valid, nd, _spread(_E, _K, 112))
    deg2 = 2.0 + _seg_sum(valid.astype(f32), jnp.where(valid, nd, _K), _K + 1)[:_K]

    nsp3 = _pad_edges(nsv, _spread(_EPAD - _E, _K, 112))
    ndp3 = _pad_edges(ndv, _spread(_EPAD - _E, _K, 112))

    m2pad, dinv2_c = _tc(
        _tc6_body,
        [jax.ShapeDtypeStruct((_KACC, _D), f32),
         jax.ShapeDtypeStruct((_K, 1), f32)],
        x1, p['conv2_w'], deg2[:, None])

    acc2lo, acc2hi = _sc_seg_add(m2pad, nsp3, ndp3, nacc=_KACC)

    kk = jax.random.key(1234)
    e1 = jax.random.normal(jax.random.fold_in(kk, 1), (_K, _D), f32)
    e2 = jax.random.normal(jax.random.fold_in(kk, 2), (_K, _D), f32)
    tf = jnp.asarray(tradeoff, f32)[None, None]

    out0, g1_1, g1_2, proj_2 = _tc(
        _tc7_body,
        [jax.ShapeDtypeStruct((1, 2 * _D), f32),
         jax.ShapeDtypeStruct((1, _D), f32),
         jax.ShapeDtypeStruct((1, _D), f32),
         jax.ShapeDtypeStruct((1, _D), f32)],
        acc2lo, acc2hi, m2pad, dinv2_c, p['conv2_b'][None, :],
        p['n_w1'], p['n_b1'][None, :], p['n_w2'], p['n_b2'][None, :],
        p['p1_w1'], p['p1_b1'][None, :], p['p1_w2'], p['p1_b2'][None, :],
        p['p2_w1'], p['p2_b1'][None, :], p['p2_w2'], p['p2_b2'][None, :],
        e1, e2, tf, g1)

    return (out0, proj_1, proj_2, g0, g0, g1_1, g1_2)

# --- scband reference (transcript-rebuilt; emitter-appended) ---
"""Pipeline reference for scband-asapnet-91216515432981 (READ-ONLY COPY).

The authoritative reference and input builder live on the scoring server;
editing this copy changes nothing except your own understanding.
"""

import jax, jax.numpy as jnp
import numpy as np

N = 10000
E = 320000
D = 128
HID = 128
RATIO = 0.5
NB = 1

def _seg_sum(v, ids, n):
    return jax.ops.segment_sum(v, ids, num_segments=n)

def _seg_max(v, ids, n):
    return jax.ops.segment_max(v, ids, num_segments=n)

def _gcn(x, W, b, src, dst, n, ew=None):
    loop = jnp.arange(n, dtype=src.dtype)
    s = jnp.concatenate([src, loop])
    d = jnp.concatenate([dst, loop])
    w = jnp.ones((s.shape[0],), dtype=x.dtype)
    if ew is not None:
        w = jnp.concatenate([ew, jnp.ones((n,), dtype=x.dtype)])
    deg = _seg_sum(w, d, n)
    dinv = jnp.where(deg > 0, 1.0 / jnp.sqrt(jnp.maximum(deg, 1e-12)), 0.0)
    norm = dinv[s] * dinv[d] * w
    h = x @ W
    return _seg_sum(h[s] * norm[:, None], d, n) + b

def _mlp(x, w1, b1, w2, b2):
    return jax.nn.relu(x @ w1 + b1) @ w2 + b2

def _le_conv(x, src, dst, ew, n, p):
    a = x @ p['le_w1']
    bb = x @ p['le_w2']
    msg = ew[:, None] * (a[dst] - bb[src])
    return _seg_sum(msg, dst, n) + x @ p['le_w3'] + p['le_b']

def _asap(x, src, dst, batch, p, ratio):
    n = x.shape[0]
    loop = jnp.arange(n, dtype=src.dtype)
    s = jnp.concatenate([src, loop])
    d = jnp.concatenate([dst, loop])
    ew = jnp.ones((s.shape[0],), dtype=x.dtype)
    x_pool_j = x[s]
    x_q = _seg_max(x_pool_j, d, n)
    x_q = (x_q @ p['pool_lin_w'] + p['pool_lin_b'])[d]
    score = (jnp.concatenate([x_q, x_pool_j], axis=1) @ p['pool_att_w'] + p['pool_att_b']).reshape(-1)
    score = jax.nn.leaky_relu(score, 0.2)
    smax = _seg_max(score, d, n)
    score = jnp.exp(score - smax[d])
    ssum = _seg_sum(score, d, n)
    score = score / (ssum[d] + 1e-16)
    v = x[s] * score[:, None]
    x_new = _seg_sum(v, d, n)
    fitness = jax.nn.sigmoid(_le_conv(x_new, s, d, ew, n, p)).reshape(-1)
    k = int(np.ceil(ratio * n))
    _, perm = jax.lax.top_k(fitness, k)
    x_out = x_new[perm] * fitness[perm][:, None]
    batch_out = batch[perm]
    inv = jnp.full((n,), -1, dtype=s.dtype).at[perm].set(jnp.arange(k, dtype=s.dtype))
    ns = inv[s]
    nd = inv[d]
    emask = ((ns >= 0) & (nd >= 0)).astype(x.dtype)
    ns = jnp.where(ns >= 0, ns, 0)
    nd = jnp.where(nd >= 0, nd, 0)
    return x_out, ns, nd, emask, batch_out

def _gap(x, b, nb):
    cnt = _seg_sum(jnp.ones((x.shape[0],), x.dtype), b, nb)
    return _seg_sum(x, b, nb) / jnp.maximum(cnt, 1.0)[:, None]

def _forward(x0, p, src, dst, batch, tradeoff):
    n = x0.shape[0]
    nb = NB
    proj1 = lambda z: _mlp(z, p['p1_w1'], p['p1_b1'], p['p1_w2'], p['p1_b2'])
    proj2 = lambda z: _mlp(z, p['p2_w1'], p['p2_b1'], p['p2_w2'], p['p2_b2'])
    h1 = _gcn(x0, p['conv1_w'], p['conv1_b'], src, dst, n)
    g0_1 = _seg_sum(proj1(h1), batch, nb)
    g0_2 = _seg_sum(proj1(h1), batch, nb)
    x = jax.nn.relu(h1)
    g1 = jnp.concatenate([_seg_max(x, batch, nb), _gap(x, batch, nb)], axis=1)
    proj_1 = _seg_sum(proj1(x), batch, nb)
    x1, ns, nd, emask, batch1 = _asap(x, src, dst, batch, p, RATIO)
    k = x1.shape[0]
    x1 = _gcn(x1, p['conv2_w'], p['conv2_b'], ns, nd, k, ew=emask)
    noise2 = _mlp(x1, p['n_w1'], p['n_b1'], p['n_w2'], p['n_b2'])
    mean, logvar = jnp.split(noise2, 2, axis=1)
    logvar = jnp.clip(logvar, -30.0, 20.0)
    std = jnp.exp(0.5 * logvar)
    kk = jax.random.key(1234)
    e1 = jax.random.normal(jax.random.fold_in(kk, 1), mean.shape, mean.dtype)
    e2 = jax.random.normal(jax.random.fold_in(kk, 2), mean.shape, mean.dtype)
    tf = jnp.asarray(tradeoff, x1.dtype)
    x11 = jnp.where(tf > 0, (1.0 - tf) * x1 + tf * (mean + std * e1), x1)
    x12 = jnp.where(tf > 0, (1.0 - tf) * x1 + tf * (mean + std * e2), x1)
    g1_1 = _seg_sum(proj1(x11), batch1, nb)
    g1_2 = _seg_sum(proj1(x12), batch1, nb)
    x1r = jax.nn.relu(x1)
    g2 = jnp.concatenate([_seg_max(x1r, batch1, nb), _gap(x1r, batch1, nb)], axis=1)
    proj_2 = _seg_sum(proj2(x1r), batch1, nb)
    return (g1 + g2, proj_1, proj_2, g0_1, g0_2, g1_1, g1_2)

def setup_inputs(seed: int = 0):
    key = jax.random.key(seed)
    ks = jax.random.split(key, 16)
    def w(k, shape):
        return jax.random.normal(k, shape, dtype=jnp.float32) * 0.05
    params = {
        'conv1_w': w(ks[0], (D, HID)), 'conv1_b': jnp.zeros((HID,), jnp.float32),
        'conv2_w': w(ks[1], (HID, HID)), 'conv2_b': jnp.zeros((HID,), jnp.float32),
        'p1_w1': w(ks[2], (HID, HID)), 'p1_b1': jnp.zeros((HID,), jnp.float32),
        'p1_w2': w(ks[3], (HID, 128)), 'p1_b2': jnp.zeros((128,), jnp.float32),
        'p2_w1': w(ks[4], (HID, HID)), 'p2_b1': jnp.zeros((HID,), jnp.float32),
        'p2_w2': w(ks[5], (HID, 128)), 'p2_b2': jnp.zeros((128,), jnp.float32),
        'n_w1': w(ks[6], (HID, HID)), 'n_b1': jnp.zeros((HID,), jnp.float32),
        'n_w2': w(ks[7], (HID, 256)), 'n_b2': jnp.zeros((256,), jnp.float32),
        'pool_lin_w': w(ks[8], (HID, HID)), 'pool_lin_b': jnp.zeros((HID,), jnp.float32),
        'pool_att_w': w(ks[9], (2 * HID, 1)), 'pool_att_b': jnp.zeros((1,), jnp.float32),
        'le_w1': w(ks[10], (HID, 1)), 'le_w2': w(ks[11], (HID, 1)),
        'le_w3': w(ks[12], (HID, 1)), 'le_b': jnp.zeros((1,), jnp.float32),
    }
    x = jax.random.normal(ks[13], (N, D), dtype=jnp.float32)
    edge_index = jax.random.randint(ks[14], (2, E), 0, N, dtype=jnp.int32)
    batch = jnp.zeros((N,), dtype=jnp.int32)
    return {'x': x, 'params': params, 'edge_index': edge_index, 'batch': batch, 'tradeoff': 1}

def reference(x, params, edge_index, batch, tradeoff):
    src = edge_index[0]
    dst = edge_index[1]
    return _forward(x, params, src, dst, batch, tradeoff)

if __name__ == "__main__":
    import jax
    _d = setup_inputs()
    print(jax.jit(kernel)(*tuple(_d.values())))

</pallas_src>

<mosaic_0001>
#map = affine_map<(d0, d1) -> (0, 0)>
#map1 = affine_map<(d0, d1) -> (0, 0, 0)>
module attributes {stable_mosaic.version = 14 : i64} {
  func.func @_seg_add_body(%arg0: i32, %arg1: i32, %arg2: memref<10000x64xf32, #tpu.memory_space<hbm>>, %arg3: memref<32x80x128xi32, #tpu.memory_space<hbm>>, %arg4: memref<32x80x128xi32, #tpu.memory_space<hbm>>, %arg5: memref<2x10240x64xf32, #tpu.memory_space<hbm>>, %arg6: memref<80x128xi32, #tpu.memory_space<vmem>>, %arg7: memref<80x128xi32, #tpu.memory_space<vmem>>, %arg8: memref<128x64xf32, #tpu.memory_space<vmem>>, %arg9: memref<128x64xf32, #tpu.memory_space<vmem>>, %arg10: memref<10240x64xf32, #tpu.memory_space<vmem_shared>>, %arg11: memref<!tpu.dma_semaphore, #tpu.memory_space<semaphore_mem>>, %arg12: memref<!tpu.dma_semaphore, #tpu.memory_space<semaphore_mem>>) attributes {dimension_semantics = [#tpu.dimension_semantics<core_parallel>, #tpu.dimension_semantics<subcore_parallel>], iteration_bounds = array<i64: 2, 16>, scalar_prefetch = 0 : i64, scratch_operands = 7 : i64, tpu.core_type = #tpu.core_type<sc_vector_subcore>, window_params = [{transform_indices = #map}, {transform_indices = #map1}, {transform_indices = #map1}, {transform_indices = #map1}]} {
    %mul3A = arith.constant 2 : i32
    %mul3A_0 = arith.muli %arg1, %mul3A : i32
    %add3A = arith.addi %mul3A_0, %arg0 : i32
    "tpu.region"() ({
      %run_scoped3A = tpu.sem_alloc : memref<!tpu.dma_semaphore, #tpu.memory_space<semaphore_mem>>
      %dma_start3A_37 = arith.constant 0 : i32
      %dma_start3A_38 = arith.constant 0 : i32
      %dma_start3A_39 = tpu.memref_slice %arg3[%add3A, %dma_start3A_37, %dma_start3A_38] : memref<32x80x128xi32, #tpu.memory_space<hbm>> -> memref<1x80x128xi32, #tpu.memory_space<hbm>>
      %dma_start3A_40 = tpu.memref_squeeze %dma_start3A_39 : memref<1x80x128xi32, #tpu.memory_space<hbm>> -> memref<80x128xi32, #tpu.memory_space<hbm>>
      %dma_start3A_41 = arith.constant 0 : i32
      %dma_start3A_42 = arith.constant 0 : i32
      %dma_start3A_43 = tpu.memref_slice %arg3[%add3A, %dma_start3A_41, %dma_start3A_42] : memref<32x80x128xi32, #tpu.memory_space<hbm>> -> memref<1x80x128xi32, #tpu.memory_space<hbm>>
      %dma_start3A_44 = tpu.memref_squeeze %dma_start3A_43 : memref<1x80x128xi32, #tpu.memory_space<hbm>> -> memref<80x128xi32, #tpu.memory_space<hbm>>
      tpu.enqueue_dma source(%dma_start3A_44 : memref<80x128xi32, #tpu.memory_space<hbm>>) target(%arg6 : memref<80x128xi32, #tpu.memory_space<vmem>>) target_semaphore(%run_scoped3A : memref<!tpu.dma_semaphore, #tpu.memory_space<semaphore_mem>>)
      %dma_wait3A = arith.constant 0 : i32
      %dma_wait3A_45 = arith.constant 0 : i32
      %dma_wait3A_46 = tpu.memref_slice %arg3[%add3A, %dma_wait3A, %dma_wait3A_45] : memref<32x80x128xi32, #tpu.memory_space<hbm>> -> memref<1x80x128xi32, #tpu.memory_space<hbm>>
      %dma_wait3A_47 = tpu.memref_squeeze %dma_wait3A_46 : memref<1x80x128xi32, #tpu.memory_space<hbm>> -> memref<80x128xi32, #tpu.memory_space<hbm>>
      %dma_wait3A_48 = arith.constant 0 : i32
      %dma_wait3A_49 = arith.constant 0 : i32
      %dma_wait3A_50 = tpu.memref_slice %arg3[%add3A, %dma_wait3A_48, %dma_wait3A_49] : memref<32x80x128xi32, #tpu.memory_space<hbm>> -> memref<1x80x128xi32, #tpu.memory_space<hbm>>
      %dma_wait3A_51 = tpu.memref_squeeze %dma_wait3A_50 : memref<1x80x128xi32, #tpu.memory_space<hbm>> -> memref<80x128xi32, #tpu.memory_space<hbm>>
      tpu.wait_dma2 semaphore(%run_scoped3A : memref<!tpu.dma_semaphore, #tpu.memory_space<semaphore_mem>>) src(%dma_wait3A_51 : memref<80x128xi32, #tpu.memory_space<hbm>>) dst(%arg6 : memref<80x128xi32, #tpu.memory_space<vmem>>)
      tpu.yield
    }) : () -> ()
    "tpu.region"() ({
      %run_scoped3A = tpu.sem_alloc : memref<!tpu.dma_semaphore, #tpu.memory_space<semaphore_mem>>
      %dma_start3A_37 = arith.constant 0 : i32
      %dma_start3A_38 = arith.constant 0 : i32
      %dma_start3A_39 = tpu.memref_slice %arg4[%add3A, %dma_start3A_37, %dma_start3A_38] : memref<32x80x128xi32, #tpu.memory_space<hbm>> -> memref<1x80x128xi32, #tpu.memory_space<hbm>>
      %dma_start3A_40 = tpu.memref_squeeze %dma_start3A_39 : memref<1x80x128xi32, #tpu.memory_space<hbm>> -> memref<80x128xi32, #tpu.memory_space<hbm>>
      %dma_start3A_41 = arith.constant 0 : i32
      %dma_start3A_42 = arith.constant 0 : i32
      %dma_start3A_43 = tpu.memref_slice %arg4[%add3A, %dma_start3A_41, %dma_start3A_42] : memref<32x80x128xi32, #tpu.memory_space<hbm>> -> memref<1x80x128xi32, #tpu.memory_space<hbm>>
      %dma_start3A_44 = tpu.memref_squeeze %dma_start3A_43 : memref<1x80x128xi32, #tpu.memory_space<hbm>> -> memref<80x128xi32, #tpu.memory_space<hbm>>
      tpu.enqueue_dma source(%dma_start3A_44 : memref<80x128xi32, #tpu.memory_space<hbm>>) target(%arg7 : memref<80x128xi32, #tpu.memory_space<vmem>>) target_semaphore(%run_scoped3A : memref<!tpu.dma_semaphore, #tpu.memory_space<semaphore_mem>>)
      %dma_wait3A = arith.constant 0 : i32
      %dma_wait3A_45 = arith.constant 0 : i32
      %dma_wait3A_46 = tpu.memref_slice %arg4[%add3A, %dma_wait3A, %dma_wait3A_45] : memref<32x80x128xi32, #tpu.memory_space<hbm>> -> memref<1x80x128xi32, #tpu.memory_space<hbm>>
      %dma_wait3A_47 = tpu.memref_squeeze %dma_wait3A_46 : memref<1x80x128xi32, #tpu.memory_space<hbm>> -> memref<80x128xi32, #tpu.memory_space<hbm>>
      %dma_wait3A_48 = arith.constant 0 : i32
      %dma_wait3A_49 = arith.constant 0 : i32
      %dma_wait3A_50 = tpu.memref_slice %arg4[%add3A, %dma_wait3A_48, %dma_wait3A_49] : memref<32x80x128xi32, #tpu.memory_space<hbm>> -> memref<1x80x128xi32, #tpu.memory_space<hbm>>
      %dma_wait3A_51 = tpu.memref_squeeze %dma_wait3A_50 : memref<1x80x128xi32, #tpu.memory_space<hbm>> -> memref<80x128xi32, #tpu.memory_space<hbm>>
      tpu.wait_dma2 semaphore(%run_scoped3A : memref<!tpu.dma_semaphore, #tpu.memory_space<semaphore_mem>>) src(%dma_wait3A_51 : memref<80x128xi32, #tpu.memory_space<hbm>>) dst(%arg7 : memref<80x128xi32, #tpu.memory_space<vmem>>)
      tpu.yield
    }) : () -> ()
    %broadcast_in_dim3A = arith.constant 0.000000e+00 : f32
    %broadcast_in_dim3A_1 = vector.broadcast %broadcast_in_dim3A : f32 to vector<16xf32>
    %scan3A = arith.constant 0 : i32
    %scan3A_2 = arith.constant 0 : i32
    %scan3A_3 = arith.constant 128 : i32
    %scan3A_4 = arith.addi %scan3A_2, %scan3A_3 : i32
    %scan3A_5 = arith.constant 1 : i32
    scf.for %scan3A_37 = %scan3A_2 to %scan3A_4 step %scan3A_5  : i32 {
      %swap3A = arith.index_cast %scan3A_37 : i32 to index
      %swap3A_38 = arith.constant 0 : index
      %swap3A_39 = tpu.vector_load %arg8[%swap3A, %swap3A_38] {strides = array<i32>} : memref<128x64xf32, #tpu.memory_space<vmem>>, vector<1x16xf32>,
      %swap3A_40 = vector.shape_cast %swap3A_39 : vector<1x16xf32> to vector<16xf32>
      %swap3A_41 = vector.shape_cast %broadcast_in_dim3A_1 : vector<16xf32> to vector<1x16xf32>
      tpu.vector_store %arg8[%swap3A, %swap3A_38], %swap3A_41 {strides = array<i32>} : memref<128x64xf32, #tpu.memory_space<vmem>>, vector<1x16xf32>,
      %swap3A_42 = arith.index_cast %scan3A_37 : i32 to index
      %swap3A_43 = arith.constant 16 : index
      %swap3A_44 = tpu.vector_load %arg8[%swap3A_42, %swap3A_43] {strides = array<i32>} : memref<128x64xf32, #tpu.memory_space<vmem>>, vector<1x16xf32>,
      %swap3A_45 = vector.shape_cast %swap3A_44 : vector<1x16xf32> to vector<16xf32>
      %swap3A_46 = vector.shape_cast %broadcast_in_dim3A_1 : vector<16xf32> to vector<1x16xf32>
      tpu.vector_store %arg8[%swap3A_42, %swap3A_43], %swap3A_46 {strides = array<i32>} : memref<128x64xf32, #tpu.memory_space<vmem>>, vector<1x16xf32>,
      %swap3A_47 = arith.index_cast %scan3A_37 : i32 to index
      %swap3A_48 = arith.constant 32 : index
      %swap3A_49 = tpu.vector_load %arg8[%swap3A_47, %swap3A_48] {strides = array<i32>} : memref<128x64xf32, #tpu.memory_space<vmem>>, vector<1x16xf32>,
      %swap3A_50 = vector.shape_cast %swap3A_49 : vector<1x16xf32> to vector<16xf32>
      %swap3A_51 = vector.shape_cast %broadcast_in_dim3A_1 : vector<16xf32> to vector<1x16xf32>
      tpu.vector_store %arg8[%swap3A_47, %swap3A_48], %swap3A_51 {strides = array<i32>} : memref<128x64xf32, #tpu.memory_space<vmem>>, vector<1x16xf32>,
      %swap3A_52 = arith.index_cast %scan3A_37 : i32 to index
      %swap3A_53 = arith.constant 48 : index
      %swap3A_54 = tpu.vector_load %arg8[%swap3A_52, %swap3A_53] {strides = array<i32>} : memref<128x64xf32, #tpu.memory_space<vmem>>, vector<1x16xf32>,
      %swap3A_55 = vector.shape_cast %swap3A_54 : vector<1x16xf32> to vector<16xf32>
      %swap3A_56 = vector.shape_cast %broadcast_in_dim3A_1 : vector<16xf32> to vector<1x16xf32>
      tpu.vector_store %arg8[%swap3A_52, %swap3A_53], %swap3A_56 {strides = array<i32>} : memref<128x64xf32, #tpu.memory_space<vmem>>, vector<1x16xf32>,
    }
    %scan3A_6 = arith.constant 128 : i32
    %scan3A_7 = arith.constant 0 : i32
    %scan3A_8 = arith.constant 0 : i32
    %scan3A_9 = arith.constant 10 : i32
    %scan3A_10 = arith.addi %scan3A_8, %scan3A_9 : i32
    %scan3A_11 = arith.constant 1 : i32
    scf.for %scan3A_37 = %scan3A_8 to %scan3A_10 step %scan3A_11  : i32 {
      %mul3A_38 = arith.constant 640 : i32
      %mul3A_39 = arith.muli %arg1, %mul3A_38 : i32
      %mul3A_40 = arith.constant 64 : i32
      %mul3A_41 = arith.muli %scan3A_37, %mul3A_40 : i32
      %add3A_42 = arith.addi %mul3A_39, %mul3A_41 : i32
      "tpu.region"() ({
        %run_scoped3A = tpu.sem_alloc : memref<!tpu.dma_semaphore, #tpu.memory_space<semaphore_mem>>
        %dma_start3A_43 = arith.constant 0 : i32
        %dma_start3A_44 = arith.constant 0 : i32
        %dma_start3A_45 = tpu.memref_slice %arg8[%dma_start3A_43, %dma_start3A_44] : memref<128x64xf32, #tpu.memory_space<vmem>> -> memref<64x64xf32, #tpu.memory_space<vmem>>
        %dma_start3A_46 = arith.constant 0 : i32
        %dma_start3A_47 = tpu.memref_slice %arg10[%add3A_42, %dma_start3A_46] : memref<10240x64xf32, #tpu.memory_space<vmem_shared>> -> memref<64x64xf32, #tpu.memory_space<vmem_shared>>
        %dma_start3A_48 = arith.constant 0 : i32
        %dma_start3A_49 = tpu.memref_slice %arg10[%add3A_42, %dma_start3A_48] : memref<10240x64xf32, #tpu.memory_space<vmem_shared>> -> memref<64x64xf32, #tpu.memory_space<vmem_shared>>
        %dma_start3A_50 = arith.constant 0 : i32
        %dma_start3A_51 = arith.constant 0 : i32
        %dma_start3A_52 = tpu.memref_slice %arg8[%dma_start3A_50, %dma_start3A_51] : memref<128x64xf32, #tpu.memory_space<vmem>> -> memref<64x64xf32, #tpu.memory_space<vmem>>
        tpu.enqueue_dma source(%dma_start3A_52 : memref<64x64xf32, #tpu.memory_space<vmem>>) target(%dma_start3A_49 : memref<64x64xf32, #tpu.memory_space<vmem_shared>>) target_semaphore(%run_scoped3A : memref<!tpu.dma_semaphore, #tpu.memory_space<semaphore_mem>>)
        %dma_wait3A = arith.constant 0 : i32
        %dma_wait3A_53 = arith.constant 0 : i32
        %dma_wait3A_54 = tpu.memref_slice %arg8[%dma_wait3A, %dma_wait3A_53] : memref<128x64xf32, #tpu.memory_space<vmem>> -> memref<64x64xf32, #tpu.memory_space<vmem>>
        %dma_wait3A_55 = arith.constant 0 : i32
        %dma_wait3A_56 = tpu.memref_slice %arg10[%add3A_42, %dma_wait3A_55] : memref<10240x64xf32, #tpu.memory_space<vmem_shared>> -> memref<64x64xf32, #tpu.memory_space<vmem_shared>>
        %dma_wait3A_57 = arith.constant 0 : i32
        %dma_wait3A_58 = tpu.memref_slice %arg10[%add3A_42, %dma_wait3A_57] : memref<10240x64xf32, #tpu.memory_space<vmem_shared>> -> memref<64x64xf32, #tpu.memory_space<vmem_shared>>
        %dma_wait3A_59 = arith.constant 0 : i32
        %dma_wait3A_60 = arith.constant 0 : i32
        %dma_wait3A_61 = tpu.memref_slice %arg8[%dma_wait3A_59, %dma_wait3A_60] : memref<128x64xf32, #tpu.memory_space<vmem>> -> memref<64x64xf32, #tpu.memory_space<vmem>>
        tpu.wait_dma2 semaphore(%run_scoped3A : memref<!tpu.dma_semaphore, #tpu.memory_space<semaphore_mem>>) src(%dma_wait3A_61 : memref<64x64xf32, #tpu.memory_space<vmem>>) dst(%dma_wait3A_58 : memref<64x64xf32, #tpu.memory_space<vmem_shared>>)
        tpu.yield
      }) : () -> ()
    }
    %scan3A_12 = arith.constant 10 : i32
    %barrier3A = arith.constant 0 : index
    tpu.barrier barrier_id(%barrier3A)
    %dma_start3A = arith.constant 0 : i32
    %dma_start3A_13 = arith.constant 0 : i32
    %dma_start3A_14 = tpu.memref_slice %arg6[%dma_start3A, %dma_start3A_13] : memref<80x128xi32, #tpu.memory_space<vmem>> -> memref<1x128xi32, #tpu.memory_space<vmem>>
    %dma_start3A_15 = tpu.memref_squeeze %dma_start3A_14 : memref<1x128xi32, #tpu.memory_space<vmem>> -> memref<128xi32, #tpu.memory_space<vmem>>
    %dma_start3A_16 = arith.constant 0 : i32
    %dma_start3A_17 = arith.constant 0 : i32
    %dma_start3A_18 = tpu.memref_slice %arg2[%dma_start3A_16, %dma_start3A_17] : memref<10000x64xf32, #tpu.memory_space<hbm>> -> memref<10000x64xf32, #tpu.memory_space<hbm>>
    tpu.enqueue_indirect_dma source(%dma_start3A_18 : memref<10000x64xf32, #tpu.memory_space<hbm>>) target(%arg8 : memref<128x64xf32, #tpu.memory_space<vmem>>) offsets(%dma_start3A_15 : memref<128xi32, #tpu.memory_space<vmem>>) semaphore(%arg11 : memref<!tpu.dma_semaphore, #tpu.memory_space<semaphore_mem>>)
    %dma_start3A_19 = arith.constant 1 : i32
    %dma_start3A_20 = arith.constant 0 : i32
    %dma_start3A_21 = tpu.memref_slice %arg6[%dma_start3A_19, %dma_start3A_20] : memref<80x128xi32, #tpu.memory_space<vmem>> -> memref<1x128xi32, #tpu.memory_space<vmem>>
    %dma_start3A_22 = tpu.memref_squeeze %dma_start3A_21 : memref<1x128xi32, #tpu.memory_space<vmem>> -> memref<128xi32, #tpu.memory_space<vmem>>
    %dma_start3A_23 = arith.constant 0 : i32
    %dma_start3A_24 = arith.constant 0 : i32
    %dma_start3A_25 = tpu.memref_slice %arg2[%dma_start3A_23, %dma_start3A_24] : memref<10000x64xf32, #tpu.memory_space<hbm>> -> memref<10000x64xf32, #tpu.memory_space<hbm>>
    tpu.enqueue_indirect_dma source(%dma_start3A_25 : memref<10000x64xf32, #tpu.memory_space<hbm>>) target(%arg9 : memref<128x64xf32, #tpu.memory_space<vmem>>) offsets(%dma_start3A_22 : memref<128xi32, #tpu.memory_space<vmem>>) semaphore(%arg12 : memref<!tpu.dma_semaphore, #tpu.memory_space<semaphore_mem>>)
    %scan3A_26 = arith.constant 0 : i32
    %scan3A_27 = arith.constant 0 : i32
    %scan3A_28 = arith.constant 40 : i32
    %scan3A_29 = arith.addi %scan3A_27, %scan3A_28 : i32
    %scan3A_30 = arith.constant 1 : i32
    scf.for %scan3A_37 = %scan3A_27 to %scan3A_29 step %scan3A_30  : i32 {
      %mul3A_38 = arith.constant 2 : i32
      %mul3A_39 = arith.muli %scan3A_37, %mul3A_38 : i32
      %add3A_40 = arith.constant 0 : i32
      %add3A_41 = arith.addi %mul3A_39, %add3A_40 : i32
      %dma_wait3A = arith.constant 0 : i32
      %dma_wait3A_42 = tpu.memref_slice %arg6[%add3A_41, %dma_wait3A] : memref<80x128xi32, #tpu.memory_space<vmem>> -> memref<1x128xi32, #tpu.memory_space<vmem>>
      %dma_wait3A_43 = tpu.memref_squeeze %dma_wait3A_42 : memref<1x128xi32, #tpu.memory_space<vmem>> -> memref<128xi32, #tpu.memory_space<vmem>>
      %dma_wait3A_44 = arith.constant 0 : i32
      %dma_wait3A_45 = arith.constant 0 : i32
      %dma_wait3A_46 = tpu.memref_slice %arg2[%dma_wait3A_44, %dma_wait3A_45] : memref<10000x64xf32, #tpu.memory_space<hbm>> -> memref<10000x64xf32, #tpu.memory_space<hbm>>
      tpu.wait_indirect_dma semaphore(%arg11 : memref<!tpu.dma_semaphore, #tpu.memory_space<semaphore_mem>>) src(%dma_wait3A_46 : memref<10000x64xf32, #tpu.memory_space<hbm>>) dst(%arg8 : memref<128x64xf32, #tpu.memory_space<vmem>>)
      "tpu.region"() ({
        %run_scoped3A = tpu.sem_alloc : memref<!tpu.dma_semaphore, #tpu.memory_space<semaphore_mem>>
        %dma_start3A_68 = arith.constant 0 : i32
        %dma_start3A_69 = tpu.memref_slice %arg7[%add3A_41, %dma_start3A_68] : memref<80x128xi32, #tpu.memory_space<vmem>> -> memref<1x128xi32, #tpu.memory_space<vmem>>
        %dma_start3A_70 = tpu.memref_squeeze %dma_start3A_69 : memref<1x128xi32, #tpu.memory_space<vmem>> -> memref<128xi32, #tpu.memory_space<vmem>>
        %dma_start3A_71 = arith.constant 0 : i32
        %dma_start3A_72 = arith.constant 0 : i32
        %dma_start3A_73 = tpu.memref_slice %arg10[%dma_start3A_71, %dma_start3A_72] : memref<10240x64xf32, #tpu.memory_space<vmem_shared>> -> memref<10240x64xf32, #tpu.memory_space<vmem_shared>>
        tpu.enqueue_indirect_dma source(%arg8 : memref<128x64xf32, #tpu.memory_space<vmem>>) target(%dma_start3A_73 : memref<10240x64xf32, #tpu.memory_space<vmem_shared>>) offsets(%dma_start3A_70 : memref<128xi32, #tpu.memory_space<vmem>>) semaphore(%run_scoped3A : memref<!tpu.dma_semaphore, #tpu.memory_space<semaphore_mem>>) {add = true}
        %dma_wait3A_74 = arith.constant 0 : i32
        %dma_wait3A_75 = tpu.memref_slice %arg7[%add3A_41, %dma_wait3A_74] : memref<80x128xi32, #tpu.memory_space<vmem>> -> memref<1x128xi32, #tpu.memory_space<vmem>>
        %dma_wait3A_76 = tpu.memref_squeeze %dma_wait3A_75 : memref<1x128xi32, #tpu.memory_space<vmem>> -> memref<128xi32, #tpu.memory_space<vmem>>
        %dma_wait3A_77 = arith.constant 0 : i32
        %dma_wait3A_78 = arith.constant 0 : i32
        %dma_wait3A_79 = tpu.memref_slice %arg10[%dma_wait3A_77, %dma_wait3A_78] : memref<10240x64xf32, #tpu.memory_space<vmem_shared>> -> memref<10240x64xf32, #tpu.memory_space<vmem_shared>>
        tpu.wait_indirect_dma semaphore(%run_scoped3A : memref<!tpu.dma_semaphore, #tpu.memory_space<semaphore_mem>>) src(%arg8 : memref<128x64xf32, #tpu.memory_space<vmem>>) dst(%dma_wait3A_79 : memref<10240x64xf32, #tpu.memory_space<vmem_shared>>)
        tpu.yield
      }) : () -> ()
      %add3A_47 = arith.constant 2 : i32
      %add3A_48 = arith.addi %add3A_41, %add3A_47 : i32
      %lt3A = arith.constant 80 : i32
      %lt3A_49 = arith.cmpi slt, %add3A_48, %lt3A : i32
      %convert_element_type3A = arith.extui %lt3A_49 : i1 to i32
      %cond3A = arith.constant 0 : i32
      %cond3A_50 = arith.cmpi ne, %convert_element_type3A, %cond3A : i32
      scf.if %cond3A_50 {
        %dma_start3A_68 = arith.constant 0 : i32
        %dma_start3A_69 = tpu.memref_slice %arg6[%add3A_48, %dma_start3A_68] : memref<80x128xi32, #tpu.memory_space<vmem>> -> memref<1x128xi32, #tpu.memory_space<vmem>>
        %dma_start3A_70 = tpu.memref_squeeze %dma_start3A_69 : memref<1x128xi32, #tpu.memory_space<vmem>> -> memref<128xi32, #tpu.memory_space<vmem>>
        %dma_start3A_71 = arith.constant 0 : i32
        %dma_start3A_72 = arith.constant 0 : i32
        %dma_start3A_73 = tpu.memref_slice %arg2[%dma_start3A_71, %dma_start3A_72] : memref<10000x64xf32, #tpu.memory_space<hbm>> -> memref<10000x64xf32, #tpu.memory_space<hbm>>
        tpu.enqueue_indirect_dma source(%dma_start3A_73 : memref<10000x64xf32, #tpu.memory_space<hbm>>) target(%arg8 : memref<128x64xf32, #tpu.memory_space<vmem>>) offsets(%dma_start3A_70 : memref<128xi32, #tpu.memory_space<vmem>>) semaphore(%arg11 : memref<!tpu.dma_semaphore, #tpu.memory_space<semaphore_mem>>)
      } else {
      }
      %mul3A_51 = arith.constant 2 : i32
      %mul3A_52 = arith.muli %scan3A_37, %mul3A_51 : i32
      %add3A_53 = arith.constant 1 : i32
      %add3A_54 = arith.addi %mul3A_52, %add3A_53 : i32
      %dma_wait3A_55 = arith.constant 0 : i32
      %dma_wait3A_56 = tpu.memref_slice %arg6[%add3A_54, %dma_wait3A_55] : memref<80x128xi32, #tpu.memory_space<vmem>> -> memref<1x128xi32, #tpu.memory_space<vmem>>
      %dma_wait3A_57 = tpu.memref_squeeze %dma_wait3A_56 : memref<1x128xi32, #tpu.memory_space<vmem>> -> memref<128xi32, #tpu.memory_space<vmem>>
      %dma_wait3A_58 = arith.constant 0 : i32
      %dma_wait3A_59 = arith.constant 0 : i32
      %dma_wait3A_60 = tpu.memref_slice %arg2[%dma_wait3A_58, %dma_wait3A_59] : memref<10000x64xf32, #tpu.memory_space<hbm>> -> memref<10000x64xf32, #tpu.memory_space<hbm>>
      tpu.wait_indirect_dma semaphore(%arg12 : memref<!tpu.dma_semaphore, #tpu.memory_space<semaphore_mem>>) src(%dma_wait3A_60 : memref<10000x64xf32, #tpu.memory_space<hbm>>) dst(%arg9 : memref<128x64xf32, #tpu.memory_space<vmem>>)
      "tpu.region"() ({
        %run_scoped3A = tpu.sem_alloc : memref<!tpu.dma_semaphore, #tpu.memory_space<semaphore_mem>>
        %dma_start3A_68 = arith.constant 0 : i32
        %dma_start3A_69 = tpu.memref_slice %arg7[%add3A_54, %dma_start3A_68] : memref<80x128xi32, #tpu.memory_space<vmem>> -> memref<1x128xi32, #tpu.memory_space<vmem>>
        %dma_start3A_70 = tpu.memref_squeeze %dma_start3A_69 : memref<1x128xi32, #tpu.memory_space<vmem>> -> memref<128xi32, #tpu.memory_space<vmem>>
        %dma_start3A_71 = arith.constant 0 : i32
        %dma_start3A_72 = arith.constant 0 : i32
        %dma_start3A_73 = tpu.memref_slice %arg10[%dma_start3A_71, %dma_start3A_72] : memref<10240x64xf32, #tpu.memory_space<vmem_shared>> -> memref<10240x64xf32, #tpu.memory_space<vmem_shared>>
        tpu.enqueue_indirect_dma source(%arg9 : memref<128x64xf32, #tpu.memory_space<vmem>>) target(%dma_start3A_73 : memref<10240x64xf32, #tpu.memory_space<vmem_shared>>) offsets(%dma_start3A_70 : memref<128xi32, #tpu.memory_space<vmem>>) semaphore(%run_scoped3A : memref<!tpu.dma_semaphore, #tpu.memory_space<semaphore_mem>>) {add = true}
        %dma_wait3A_74 = arith.constant 0 : i32
        %dma_wait3A_75 = tpu.memref_slice %arg7[%add3A_54, %dma_wait3A_74] : memref<80x128xi32, #tpu.memory_space<vmem>> -> memref<1x128xi32, #tpu.memory_space<vmem>>
        %dma_wait3A_76 = tpu.memref_squeeze %dma_wait3A_75 : memref<1x128xi32, #tpu.memory_space<vmem>> -> memref<128xi32, #tpu.memory_space<vmem>>
        %dma_wait3A_77 = arith.constant 0 : i32
        %dma_wait3A_78 = arith.constant 0 : i32
        %dma_wait3A_79 = tpu.memref_slice %arg10[%dma_wait3A_77, %dma_wait3A_78] : memref<10240x64xf32, #tpu.memory_space<vmem_shared>> -> memref<10240x64xf32, #tpu.memory_space<vmem_shared>>
        tpu.wait_indirect_dma semaphore(%run_scoped3A : memref<!tpu.dma_semaphore, #tpu.memory_space<semaphore_mem>>) src(%arg9 : memref<128x64xf32, #tpu.memory_space<vmem>>) dst(%dma_wait3A_79 : memref<10240x64xf32, #tpu.memory_space<vmem_shared>>)
        tpu.yield
      }) : () -> ()
      %add3A_61 = arith.constant 2 : i32
      %add3A_62 = arith.addi %add3A_54, %add3A_61 : i32
      %lt3A_63 = arith.constant 80 : i32
      %lt3A_64 = arith.cmpi slt, %add3A_62, %lt3A_63 : i32
      %convert_element_type3A_65 = arith.extui %lt3A_64 : i1 to i32
      %cond3A_66 = arith.constant 0 : i32
      %cond3A_67 = arith.cmpi ne, %convert_element_type3A_65, %cond3A_66 : i32
      scf.if %cond3A_67 {
        %dma_start3A_68 = arith.constant 0 : i32
        %dma_start3A_69 = tpu.memref_slice %arg6[%add3A_62, %dma_start3A_68] : memref<80x128xi32, #tpu.memory_space<vmem>> -> memref<1x128xi32, #tpu.memory_space<vmem>>
        %dma_start3A_70 = tpu.memref_squeeze %dma_start3A_69 : memref<1x128xi32, #tpu.memory_space<vmem>> -> memref<128xi32, #tpu.memory_space<vmem>>
        %dma_start3A_71 = arith.constant 0 : i32
        %dma_start3A_72 = arith.constant 0 : i32
        %dma_start3A_73 = tpu.memref_slice %arg2[%dma_start3A_71, %dma_start3A_72] : memref<10000x64xf32, #tpu.memory_space<hbm>> -> memref<10000x64xf32, #tpu.memory_space<hbm>>
        tpu.enqueue_indirect_dma source(%dma_start3A_73 : memref<10000x64xf32, #tpu.memory_space<hbm>>) target(%arg9 : memref<128x64xf32, #tpu.memory_space<vmem>>) offsets(%dma_start3A_70 : memref<128xi32, #tpu.memory_space<vmem>>) semaphore(%arg12 : memref<!tpu.dma_semaphore, #tpu.memory_space<semaphore_mem>>)
      } else {
      }
    }
    %scan3A_31 = arith.constant 40 : i32
    %barrier3A_32 = arith.constant 0 : index
    tpu.barrier barrier_id(%barrier3A_32)
    %mul3A_33 = arith.constant 640 : i32
    %mul3A_34 = arith.muli %arg1, %mul3A_33 : i32
    %mul3A_35 = arith.constant 640 : i32
    %mul3A_36 = arith.muli %arg1, %mul3A_35 : i32
    "tpu.region"() ({
      %run_scoped3A = tpu.sem_alloc : memref<!tpu.dma_semaphore, #tpu.memory_space<semaphore_mem>>
      %dma_start3A_37 = arith.constant 0 : i32
      %dma_start3A_38 = tpu.memref_slice %arg5[%arg0, %mul3A_36, %dma_start3A_37] : memref<2x10240x64xf32, #tpu.memory_space<hbm>> -> memref<1x640x64xf32, #tpu.memory_space<hbm>>
      %dma_start3A_39 = tpu.memref_squeeze %dma_start3A_38 : memref<1x640x64xf32, #tpu.memory_space<hbm>> -> memref<640x64xf32, #tpu.memory_space<hbm>>
      %dma_start3A_40 = arith.constant 0 : i32
      %dma_start3A_41 = tpu.memref_slice %arg10[%mul3A_34, %dma_start3A_40] : memref<10240x64xf32, #tpu.memory_space<vmem_shared>> -> memref<640x64xf32, #tpu.memory_space<vmem_shared>>
      tpu.enqueue_dma source(%dma_start3A_41 : memref<640x64xf32, #tpu.memory_space<vmem_shared>>) target(%dma_start3A_39 : memref<640x64xf32, #tpu.memory_space<hbm>>) target_semaphore(%run_scoped3A : memref<!tpu.dma_semaphore, #tpu.memory_space<semaphore_mem>>)
      %dma_wait3A = arith.constant 0 : i32
      %dma_wait3A_42 = tpu.memref_slice %arg5[%arg0, %mul3A_36, %dma_wait3A] : memref<2x10240x64xf32, #tpu.memory_space<hbm>> -> memref<1x640x64xf32, #tpu.memory_space<hbm>>
      %dma_wait3A_43 = tpu.memref_squeeze %dma_wait3A_42 : memref<1x640x64xf32, #tpu.memory_space<hbm>> -> memref<640x64xf32, #tpu.memory_space<hbm>>
      %dma_wait3A_44 = arith.constant 0 : i32
      %dma_wait3A_45 = tpu.memref_slice %arg10[%mul3A_34, %dma_wait3A_44] : memref<10240x64xf32, #tpu.memory_space<vmem_shared>> -> memref<640x64xf32, #tpu.memory_space<vmem_shared>>
      tpu.wait_dma2 semaphore(%run_scoped3A : memref<!tpu.dma_semaphore, #tpu.memory_space<semaphore_mem>>) src(%dma_wait3A_45 : memref<640x64xf32, #tpu.memory_space<vmem_shared>>) dst(%dma_wait3A_43 : memref<640x64xf32, #tpu.memory_space<hbm>>)
      tpu.yield
    }) : () -> ()
    return
  }
}

</mosaic_0001>

<sc_bundles>
// kernel: _sc_seg_add_h.3.cloned.1.call-start
scs
__scs_entry_jumppad:
0x0: {  	(pc) =	sbr.rel $0x88, $3  }
0x1: {  	(tag) =	ssettag $0x0;
	lr =	simm.s32 $0x1  }
0x2: {  	[smem:$0x3F9E] =	sst lr;
	_ =	strace $0xD0000000  }
0x3: {  	_ = 	snop  }
0x4: {  	_ = 	snop  }
0x5: {  	_ = 	snop  }
0x6: {  	_ = 	snop  }
0x7: {  	_ = 	snop  }
__scs_overlays_trampoline_lowered:
0x8: {  	[smem:$0x3FAD] =	sst s0  }
0x9: {  	[smem:$0x3FAE] =	sst s1  }
0xa: {  	[smem:$0x3FAF] =	sst s2  }
0xb: {  	[smem:$0x3FB0] =	sst s3  }
0xc: {  	[smem:$0x3FB1] =	sst s4  }
0xd: {  	[smem:$0x3FB2] =	sst s5  }
0xe: {  	[smem:$0x3FB3] =	sst s6  }
0xf: {  	[smem:$0x3FB4] =	sst s7  }
0x10: {  	[smem:$0x3FB5] =	sst s8  }
0x11: {  	[smem:$0x3FB6] =	sst s9;
	s0 =	simm.s32 @!p0 $0x0  }
0x12: {  	s1 =	sld [smem:$0x3F9C];
	s0 =	simm.s32 @p0 $0x1  }
0x13: {  	[smem:$0x3FB7] =	sst s0;
	s0 =	simm.s32 @!p1 $0x0  }
0x14: {  	s2 =	sld [smem:$0x3F9B];
	s0 =	simm.s32 @p1 $0x1  }
0x15: {  	[smem:$0x3FB8] =	sst s0;
	s0 =	simm.s32 @!p2 $0x0  }
0x16: {  	s3 =	sld [smem:$0x3FDB];
	s0 =	simm.s32 @p2 $0x1  }
0x17: {  	s4 =	simm.s32 $0x1BF5;
	[smem:$0x3FBA] =	sst s0  }
0x18: {  	s0 =	sld [smem:$0x3F9D];
	_ =	swait.ge [sflag:s4], $0x0  }
0x19: {  	s7 =	sld [smem:$0x3F9E]  }
0x1a: {  	s8 =	sadd.s32 $0xFFFFE003, lr  }
0x1b: {  	s9 =	sadd.s32 $0xFFFFFEF7, lr;
	s5 =	simm.s32 $0xFFFFFFFF;
	p2 =	slt.u32 s8, $0xFFFFF086  }
0x1c: {  	p1 =	slt.u32 s9, $0xF7A;
	s5 =	simm.s32 @!p2 $0x0  }
0x1d: {  	s5 =	simm.s32 @p1 $0x1;
	p0 =	seq.s32 s7, s2  }
0x1e: {  	s7 =	smul.u32 @!p0 $0xF7A, s2;
	p2 =	seq.s32 @!p0 s5, $0x0  }
0x1f: {  	s9 =	smul.u32 $0xF7A, s1;
	s8 =	simm.s32 @!p0 $0x1BF5;
	p2 =	por !p2, p0  }
0x20: {  	[sflag:s8] =	ssyncset.s32 @!p0 $0xFFFFF086;
	s6 =	sadd.s32 @!p0 s3, s7;
	s7 =	simm.s32 @!p0 $0x108  }
0x21: {  	s3 =	sadd.s32 s3, s9;
	s6 =	sadd.s32 @!p0 $0x88, s6;
	s7 =	simm.s32 @p2 $0x1082  }
0x22: {  	[simem:s7], [sflag:s8] =	dma.local @!p0 [hbm:s6], $0xF7A  }
0x23: {  	s9 =	sor.u32 $0xD0000000, s2;
	s6 =	simm.s32 $0x108;
	_ =	swait.ge @!p0 [sflag:s8], $0x0  }
0x24: {  	s3 =	sadd.s32 $0x88, s3;
	s6 =	simm.s32 @!p1 $0x1082;
	[sflag:s4] =	ssyncset.s32 $0xFFFFF086  }
0x25: {  	[simem:s6], [sflag:s4] =	dma.local [hbm:s3], $0xF7A  }
0x26: {  	[smem:$0x3F9E] =	sst s1;
	(tag) =	ssettag s2;
	_ =	strace s9  }
0x27: {  	s1 =	sld [smem:$0x3FAE]  }
0x28: {  	s2 =	sld [smem:$0x3FAF]  }
0x29: {  	s4 =	sld [smem:$0x3FB1]  }
0x2a: {  	p0 =	seq.s32 s5, $0x0;
	s5 =	sld [smem:$0x3FB2]  }
0x2b: {  	s6 =	sld [smem:$0x3FB3]  }
0x2c: {  	s7 =	sld [smem:$0x3FB4]  }
0x2d: {  	s3 =	simm.s32 $0x108;
	s8 =	sld [smem:$0x3FB5]  }
0x2e: {  	s3 =	simm.s32 @!p0 $0x1082;
	s9 =	sld [smem:$0x3FB6]  }
0x2f: {  	lr =	sadd.s32 s0, s3;
	s0 =	sld [smem:$0x3FAD]  }
0x30: {  	s3 =	sld [smem:$0x3FB0]  }
0x31: {  	[smem:$0x3FB9] =	sst s10  }
0x32: {  	s10 =	sld [smem:$0x3FB7];
	_ =	sdelay $0x3  }
0x33: {  	p0 =	seq.s32 s10, $0x1;
	s10 =	sld [smem:$0x3FB9];
	_ =	sdelay $0x3  }
0x34: {  	[smem:$0x3FB9] =	sst s10  }
0x35: {  	s10 =	sld [smem:$0x3FB8];
	_ =	sdelay $0x3  }
0x36: {  	p1 =	seq.s32 s10, $0x1;
	s10 =	sld [smem:$0x3FB9];
	_ =	sdelay $0x3  }
0x37: {  	[smem:$0x3FB9] =	sst s10  }
0x38: {  	s10 =	sld [smem:$0x3FBA]  }
0x39: {  	_ = 	snop;
	(pc) =	sbr.ind lr, $3  }
0x3a: {  	_ = 	snop  }
0x3b: {  	_ = 	snop  }
0x3c: {  	p2 =	seq.s32 s10, $0x1;
	s10 =	sld [smem:$0x3FB9]  }
0x3d: {  	_ =	shalt  }
0x3e: {  	_ =	shalt  }
0x3f: {  	_ =	shalt  }
0x40: {  	_ =	shalt  }
0x41: {  	_ =	shalt  }
0x42: {  	_ =	shalt  }
0x43: {  	_ =	shalt  }
0x44: {  	_ =	shalt  }
0x45: {  	_ =	shalt  }
0x46: {  	_ =	shalt  }
0x47: {  	_ =	shalt  }
0x48: {  	_ =	shalt  }
0x49: {  	_ =	shalt  }
0x4a: {  	_ =	shalt  }
0x4b: {  	_ =	shalt  }
0x4c: {  	_ =	shalt  }
0x4d: {  	_ =	shalt  }
0x4e: {  	_ =	shalt  }
0x4f: {  	_ =	shalt  }
0x50: {  	_ =	shalt  }
0x51: {  	_ =	shalt  }
0x52: {  	_ =	shalt  }
0x53: {  	_ =	shalt  }
0x54: {  	_ =	shalt  }
0x55: {  	_ =	shalt  }
0x56: {  	_ =	shalt  }
0x57: {  	_ =	shalt  }
0x58: {  	_ =	shalt  }
0x59: {  	_ =	shalt  }
0x5a: {  	_ =	shalt  }
0x5b: {  	_ =	shalt  }
0x5c: {  	_ =	shalt  }
0x5d: {  	_ =	shalt  }
0x5e: {  	_ =	shalt  }
0x5f: {  	_ =	shalt  }
0x60: {  	_ =	shalt  }
0x61: {  	_ =	shalt  }
0x62: {  	_ =	shalt  }
0x63: {  	_ =	shalt  }
0x64: {  	_ =	shalt  }
0x65: {  	_ =	shalt  }
0x66: {  	_ =	shalt  }
0x67: {  	_ =	shalt  }
0x68: {  	_ =	shalt  }
0x69: {  	_ =	shalt  }
0x6a: {  	_ =	shalt  }
0x6b: {  	_ =	shalt  }
0x6c: {  	_ =	shalt  }
0x6d: {  	_ =	shalt  }
0x6e: {  	_ =	shalt  }
0x6f: {  	_ =	shalt  }
0x70: {  	_ =	shalt  }
0x71: {  	_ =	shalt  }
0x72: {  	_ =	shalt  }
0x73: {  	_ =	shalt  }
0x74: {  	_ =	shalt  }
0x75: {  	_ =	shalt  }
0x76: {  	_ =	shalt  }
0x77: {  	_ =	shalt  }
0x78: {  	_ =	shalt  }
0x79: {  	_ =	shalt  }
0x7a: {  	_ =	shalt  }
0x7b: {  	_ =	shalt  }
0x7c: {  	_ =	shalt  }
0x7d: {  	_ =	shalt  }
0x7e: {  	_ =	shalt  }
0x7f: {  	_ =	shalt  }
0x80: {  	_ =	shalt  }
0x81: {  	_ =	shalt  }
0x82: {  	_ =	shalt  }
0x83: {  	_ =	shalt  }
0x84: {  	_ =	shalt  }
0x85: {  	_ =	shalt  }
0x86: {  	_ =	shalt  }
0x87: {  	_ =	shalt  }
.Lfunc_end0:
.L_simem_size_0:
called_computation_lowered:
.L_overlay_start_0:
0x88: {  	s2 =	sld [smem:$0x3FD9]  }
0x89: {  	s3 =	sld [smem:$0x3FFE];
	_ =	sdelay $0x1  }
0x8a: {  	s1 =	srdreg.scid  }
0x8b: {  	s0 =	sand.u32 $0x1, s1  }
0x8c: {  	s17 =	sshll.u32 s0, $0xA;
	s2 =	sadd.s32 s3, s2  }
0x8d: {  	s2 =	sadd.s32 s2, s17  }
0x8e: {  	[smem:$0x3FC5] =	sst s2  }
0x8f: {  	_ = 	snop  }
0x90: {  	s2 =	sld [smem:$0x3FC8]  }
0x91: {  	s18 =	sld [smem:$0x3FC7]  }
0x92: {  	s4 =	sld [smem:$0x3FD0];
	(tm) =	ssettm $0x1  }
0x93: {  	s5 =	sld [smem:$0x3FFB];
	_ =	sdelay $0x3  }
0x94: {  	_ =	strace s5  }
0x95: {  	s5 =	sld [smem:$0x3FFC];
	_ =	sdelay $0x3  }
0x96: {  	_ =	strace s5  }
0x97: {  	s5 =	sld [smem:$0x3FFD];
	_ =	sdelay $0x3  }
0x98: {  	_ =	strace s5  }
0x99: {  	_ =	strace $0x8FFFFFFF  }
0x9a: {  	s19 =	sld [smem:$0x3FDB];
	_ =	sdelay $0x1  }
0x9b: {  	s6 =	simm.s32 $_scs_section_size  }
0x9c: {  	s7 =	simm.s32 $_size__tile_overlayer_lowered;
	s8 =	simm.s32 $_tile_overlayer_lowered  }
0x9d: {  	s22 =	simm.s32 $0x1BFF;
	s21 =	sshll.u32 s8, $0x1;
	s5 =	sadd.s32 s6, s19  }
0x9e: {  	s9 =	simm.s32 $0x0;
	s20 =	sshll.u32 s7, $0x1;
	s7 =	sadd.s32 s21, s5  }
0x9f: {  	[timem:s9], [sflag:s22] =	dma.local [hbm:s7], s20  }
0xa0: {  	_ =	swait.ge [sflag:s22], s20  }
0xa1: {  	s6 =	ssub.s32 $0x0, s20;
	[sflag:s22] =	ssyncset.done $0x0  }
0xa2: {  	[sflag:s22] =	ssyncadd.s32 s6;
	_ =	sdelay $0x1  }
0xa3: {  	s23 =	simm.s32 $0x1B8B  }
0xa4: {  	_ =	swait.ge [sflag:s23], $0x1  }
0xa5: {  	[sflag:s23] =	ssyncset.done $0x0  }
0xa6: {  	s25 =	simm.s32 $0x1B8E;
	s24 =	sld [smem:$0x3FFE];
	[sflag:s23] =	ssyncadd.s32 $0xFFFFFFFF  }
0xa7: {  	s26 =	simm.s32 $execute0_lowered;
	[smem:$0x3FD2] =	sst s25  }
0xa8: {  	s7 =	sshll.u32 s26, $0x1;
	_ =	strace $0x80000046;
	[dreg:$0x1] =	wrdreg $0xFFFFFFFF  }
0xa9: {  	s28 =	simm.s32 $_size_execute0_lowered;
	s5 =	sadd.s32 s5, s7;
	[dreg:$0x0] =	wrdreg $0x0  }
0xaa: {  	s7 =	sshll.u32 s28, $0x1;
	[dreg:$0x2] =	wrdreg s5  }
0xab: {  	[dreg:$0x3] =	wrdreg s7  }
0xac: {  	[dreg:$0x4] =	wrdreg $0xC0  }
0xad: {  	_ =	task [dreg:s9], $0x5FFFF  }
0xae: {  	[dreg:$0x1] =	wrdreg $0xFFFFFFFF  }
0xaf: {  	[dreg:$0x0] =	wrdreg $0x60  }
0xb0: {  	[dreg:$0x2] =	wrdreg s24  }
0xb1: {  	[dreg:$0x3] =	wrdreg s2  }
0xb2: {  	[dreg:$0x4] =	wrdreg s18  }
0xb3: {  	[dreg:$0x5] =	wrdreg s4  }
0xb4: {  	[dreg:$0x6] =	wrdreg $0x90000  }
0xb5: {  	[dreg:$0x7] =	wrdreg $0x9  }
0xb6: {  	_ =	task.clear_ibuf [dreg:s9], $0x8FFFF;
	_ =	strace $0x90000046  }
0xb7: {  	s29 =	simm.s32 $0x9;
	_ =	strace $0x80000048  }
0xb8: {  	_ =	swait.ge [sflag:s29], $0x1  }
0xb9: {  	[sflag:s29] =	ssyncadd.s32 $0xFFFFFFFF  }
0xba: {  	_ =	strace $0x90000048  }
0xbb: {  	_ =	sfence  }
0xbc: {  	s30 =	sld [smem:$0x0];
	_ =	sdelay $0x2  }
0xbd: {  	s31 =	sshll.u32 s1, $0xD;
	s1 =	sshrl.u32 s1, $0x2  }
0xbe: {  	s3 =	sand.u32 $0x4000, s31;
	s1 =	sadd.s32 s1, s30  }
0xbf: {  	s0 =	sor.u32 s3, s0;
	s1 =	sshll.u32 s1, $0x11  }
0xc0: {  	s0 =	sor.u32 s1, s0  }
0xc1: {  	s0 =	sadd.s32 $0x8F2B, s0  }
0xc2: {  	[sflag:s0] =	ssyncadd.remote.s32 $0x1  }
0xc3: {  	_ =	sfence.sel $0xFFFF  }
0xc4: {  	[dreg:$0x0] =	wrdreg $0xFFFFFFFF;
	(pc) =	sbr.abs _section_cstart, $3  }
0xc5: {  	[dreg:$0x1] =	wrdreg $0xFFFFFFFF  }
0xc6: {  	_ =	task.clear_ibuf [dreg:s9], $0x2FFFF;
	_ =	strace $0x9FFFFFFF  }
0xc7: {  	(tm) =	ssettm $0x7FFFFFFF  }
tec
execute0_lowered:
.L_overlay_start_1:
0x0: {  	(tag) =	ssettag $0x1  }
0x1: {  	s1 =	rddreg [dreg:$0x0]  }
0x2: {  	s5 =	rddreg [dreg:$0x1]  }
0x3: {  	s6 =	rddreg [dreg:$0x2]  }
0x4: {  	s2 =	srdreg.scid;
	s0 =	stileid.u32  }
0x5: {  	s8 =	rddreg [dreg:$0x3];
	s19 =	simm.s32 $0x3;
	s20 =	simm.s32 $0x2800  }
0x6: {  	s21 =	simm.s32 $0x5000;
	s22 =	simm.s32 $0x80;
	s23 =	simm.s32 $0x7000  }
0x7: {  	s24 =	simm.s32 $0x1;
	s28 =	simm.s32 $0x4F00;
	s29 =	simm.s32 $0x4F80  }
0x8: {  	s30 =	simm.s32 $0x0;
	s4 =	sand.u32 $0x1, s2;
	s11 =	smul.u32 $0xA000, s0  }
0x9: {  	s3 =	sshll.u32 s0, $0x1;
	s2 =	rddreg [dreg:$0x4];
	s12 =	smul.u32 $0x28000, s0  }
0xa: {  	s7 =	sor.u32 s4, s3;
	s3 =	simm.s32 $0x0;
	s9 =	smul.u32 $0xA0000, s4  }
0xb: {  	s10 =	ssub.s32 $0x2, s4;
	s4 =	sadd.s32 $0x400, s1;
	s7 =	smul.u32 $0x500, s7  }
0xc: {  	[smem:$0x7FF] =	sst s3;
	s26 =	sshrl.u32 s10, $0x1;
	s31 =	sshrl.u32 s12, $0x2  }
0xd: {  	s25 =	sadd.s32 s11, s2;
	_ =	strace $0x80000047;
	s1 =	ssub.s32 s10, s26  }
0xe: {  	s9 =	sadd.s32 s11, s9;
	s25 =	sshrl.u32 s25, $0x3;
	s26 =	simm.s32 $0x2  }
0xf: {  	s5 =	sadd.s32 s5, s7;
	s6 =	sadd.s32 s6, s7;
	s9 =	sshrl.u32 s9, $0x3  }
0x10: {  	s7 =	sadd.s32 s31, s2;
	s8 =	sadd.s32 s8, s9;
	s9 =	smax.u32 s1, $0x1  }
0x11: {  	s10 =	sadd.s32 $0x1000, s7;
	s11 =	sadd.s32 $0x2000, s7;
	s12 =	sadd.s32 $0x3000, s7  }
0x12: {  	s13 =	sadd.s32 $0x4000, s7;
	s14 =	sadd.s32 $0x5000, s7;
	s15 =	sadd.s32 $0x6000, s7  }
0x13: {  	v0 =	vimm.f32 $0.0e+00;
	s16 =	sadd.s32 $0x7000, s7;
	s17 =	sadd.s32 $0x8000, s7;
	s18 =	sadd.s32 $0x9000, s7  }
.LBB2_1:
0x14: {  	[tilespmem:s3], [sflag:$0x3] =	stream.linear.gather [hbm4b:s5+s3], $0x2800, $0x38;
	[tilespmem:$0x13000] =	vst v63  }
0x15: {  	_ =	swait.ge [sflag:s19], $0x2800  }
0x16: {  	[sflag:s19] =	ssyncset.done $0x0  }
0x17: {  	[sflag:s19] =	ssyncadd.s32 $0xFFFFD800  }
0x18: {  	[tilespmem:s20], [sflag:$0x3] =	stream.linear.gather [hbm4b:s6+s3], $0x2800, $0x38;
	[tilespmem:$0x13000] =	vst v63  }
0x19: {  	_ =	swait.ge [sflag:s19], $0x2800  }
0x1a: {  	[sflag:s19] =	ssyncset.done $0x0  }
0x1b: {  	s1 =	simm.s32 $0x100;
	s31 =	simm.s32 $0x0;
	[sflag:s19] =	ssyncadd.s32 $0xFFFFD800  }
.LBB2_2:
0x1c: {  	p0 =	sne.s32 s1, $0x7F00;
	[tilespmem:s31+$0x5030] =	vst v0;
	s0 =	smov.u32 s1;
	s1 =	sadd.s32 $0x100, s1  }
.Ltmp0:
0x1d: {  	[tilespmem:s31+$0x5020] =	vst v0;
	(pc) =	sbr.rel @p0 .LBB2_2-.Ltmp0, $3  }
0x1e: {  	[tilespmem:s31+$0x5000] =	vst v0  }
0x1f: {  	[tilespmem:s31+$0x5010] =	vst v0;
	_ =	sdelay $0x1  }
0x20: {  	s31 =	sshra.s32 s0, $0x2  }
0x21: {  	[tilespmem:s31+$0x5030] =	vst v0  }
0x22: {  	[tilespmem:s31+$0x5020] =	vst v0  }
0x23: {  	[tilespmem:s31+$0x5000] =	vst v0  }
0x24: {  	[tilespmem:s31+$0x5010] =	vst v0  }
0x25: {  	[spmem:s7] =	stream.linear.scatter [tilespmem:s21], [sflag:$0x3], $0x1000, $0x38;
	[tilespmem:$0x13000] =	vst v63  }
0x26: {  	_ =	swait.ge [sflag:s19], $0x1000  }
0x27: {  	[sflag:s19] =	ssyncset.done $0x0  }
0x28: {  	[sflag:s19] =	ssyncadd.s32 $0xFFFFF000  }
0x29: {  	[spmem:s10] =	stream.linear.scatter [tilespmem:s21], [sflag:$0x3], $0x1000, $0x38;
	[tilespmem:$0x13000] =	vst v63  }
0x2a: {  	_ =	swait.ge [sflag:s19], $0x1000  }
0x2b: {  	[sflag:s19] =	ssyncset.done $0x0  }
0x2c: {  	[sflag:s19] =	ssyncadd.s32 $0xFFFFF000  }
0x2d: {  	[spmem:s11] =	stream.linear.scatter [tilespmem:s21], [sflag:$0x3], $0x1000, $0x38;
	[tilespmem:$0x13000] =	vst v63  }
0x2e: {  	_ =	swait.ge [sflag:s19], $0x1000  }
0x2f: {  	[sflag:s19] =	ssyncset.done $0x0  }
0x30: {  	[sflag:s19] =	ssyncadd.s32 $0xFFFFF000  }
0x31: {  	[spmem:s12] =	stream.linear.scatter [tilespmem:s21], [sflag:$0x3], $0x1000, $0x38;
	[tilespmem:$0x13000] =	vst v63  }
0x32: {  	_ =	swait.ge [sflag:s19], $0x1000  }
0x33: {  	[sflag:s19] =	ssyncset.done $0x0  }
0x34: {  	[sflag:s19] =	ssyncadd.s32 $0xFFFFF000  }
0x35: {  	[spmem:s13] =	stream.linear.scatter [tilespmem:s21], [sflag:$0x3], $0x1000, $0x38;
	[tilespmem:$0x13000] =	vst v63  }
0x36: {  	_ =	swait.ge [sflag:s19], $0x1000  }
0x37: {  	[sflag:s19] =	ssyncset.done $0x0  }
0x38: {  	[sflag:s19] =	ssyncadd.s32 $0xFFFFF000  }
0x39: {  	[spmem:s14] =	stream.linear.scatter [tilespmem:s21], [sflag:$0x3], $0x1000, $0x38;
	[tilespmem:$0x13000] =	vst v63  }
0x3a: {  	_ =	swait.ge [sflag:s19], $0x1000  }
0x3b: {  	[sflag:s19] =	ssyncset.done $0x0  }
0x3c: {  	[sflag:s19] =	ssyncadd.s32 $0xFFFFF000  }
0x3d: {  	[spmem:s15] =	stream.linear.scatter [tilespmem:s21], [sflag:$0x3], $0x1000, $0x38;
	[tilespmem:$0x13000] =	vst v63  }
0x3e: {  	_ =	swait.ge [sflag:s19], $0x1000  }
0x3f: {  	[sflag:s19] =	ssyncset.done $0x0  }
0x40: {  	[sflag:s19] =	ssyncadd.s32 $0xFFFFF000  }
0x41: {  	[spmem:s16] =	stream.linear.scatter [tilespmem:s21], [sflag:$0x3], $0x1000, $0x38;
	[tilespmem:$0x13000] =	vst v63  }
0x42: {  	_ =	swait.ge [sflag:s19], $0x1000  }
0x43: {  	[sflag:s19] =	ssyncset.done $0x0  }
0x44: {  	[sflag:s19] =	ssyncadd.s32 $0xFFFFF000  }
0x45: {  	[spmem:s17] =	stream.linear.scatter [tilespmem:s21], [sflag:$0x3], $0x1000, $0x38;
	[tilespmem:$0x13000] =	vst v63  }
0x46: {  	_ =	swait.ge [sflag:s19], $0x1000  }
0x47: {  	[sflag:s19] =	ssyncset.done $0x0  }
0x48: {  	[sflag:s19] =	ssyncadd.s32 $0xFFFFF000  }
0x49: {  	[spmem:s18] =	stream.linear.scatter [tilespmem:s21], [sflag:$0x3], $0x1000, $0x38;
	[tilespmem:$0x13000] =	vst v63  }
0x4a: {  	_ =	swait.ge [sflag:s19], $0x1000  }
0x4b: {  	[sflag:s19] =	ssyncset.done $0x0  }
0x4c: {  	[sflag:s19] =	ssyncadd.s32 $0xFFFFF000  }
0x4d: {  	s0 =	simm.s32 $0x0;
	[bflag:$0x0] =	sbarrier.arrive $0xFFFF  }
0x4e: {  	[tilespmem:s21], [sflag:$0x1] =	stream.indirect.gather [hbm4b:s4+s22], $0x40, s0, s22, $0xb8;
	[tilespmem:$0x13000] =	vst v63  }
0x4f: {  	_ = 	snop  }
0x50: {  	[tilespmem:s23], [sflag:$0x2] =	stream.indirect.gather [hbm4b:s4+s22], $0x40, s22, s22, $0xb8;
	[tilespmem:$0x13000] =	vst v63  }
0x51: {  	_ =	swait.ge [sflag:s24], $0x2000  }
0x52: {  	[sflag:s24] =	ssyncset.done $0x0  }
0x53: {  	s1 =	simm.s32 $0x2800;
	[sflag:s24] =	ssyncadd.s32 $0xFFFFE000  }
0x54: {  	[spmem:s2] =	stream.indirect.scatter.add.f32 [tilespmem:s21], [sflag:$0x3], $0x40, s1, s22, $0xb8;
	[tilespmem:$0x13000] =	vst v63  }
0x55: {  	_ =	swait.ge [sflag:s19], $0x2000  }
0x56: {  	[sflag:s19] =	ssyncset.done $0x0  }
0x57: {  	s1 =	simm.s32 $0x100;
	[sflag:s19] =	ssyncadd.s32 $0xFFFFE000  }
0x58: {  	[tilespmem:s21], [sflag:$0x1] =	stream.indirect.gather [hbm4b:s4+s22], $0x40, s1, s22, $0xb8;
	[tilespmem:$0x13000] =	vst v63  }
0x59: {  	_ =	swait.ge [sflag:s26], $0x2000  }
0x5a: {  	[sflag:s26] =	ssyncset.done $0x0  }
0x5b: {  	s1 =	simm.s32 $0x2880;
	[sflag:s26] =	ssyncadd.s32 $0xFFFFE000  }
0x5c: {  	[spmem:s2] =	stream.indirect.scatter.add.f32 [tilespmem:s23], [sflag:$0x3], $0x40, s1, s22, $0xb8;
	[tilespmem:$0x13000] =	vst v63  }
0x5d: {  	_ =	swait.ge [sflag:s19], $0x2000  }
0x5e: {  	[sflag:s19] =	ssyncset.done $0x0  }
0x5f: {  	s31 =	simm.s32 $0x400;
	s1 =	simm.s32 $0x180;
	[sflag:s19] =	ssyncadd.s32 $0xFFFFE000  }
.LBB2_4:
0x60: {  	[tilespmem:s23], [sflag:$0x2] =	stream.indirect.gather [hbm4b:s4+s22], $0x40, s1, s22, $0xb8;
	[tilespmem:$0x13000] =	vst v63  }
0x61: {  	s0 =	smov.u32 s31  }
0x62: {  	p0 =	sne.s32 s31, $0x9800;
	s31 =	sadd.s32 $0x400, s31;
	_ =	swait.ge [sflag:s24], $0x2000  }
0x63: {  	s0 =	sshra.s32 s0, $0x2;
	[sflag:s24] =	ssyncset.done $0x0  }
0x64: {  	s1 =	sadd.s32 $0x2800, s0;
	[sflag:s24] =	ssyncadd.s32 $0xFFFFE000  }
0x65: {  	[spmem:s2] =	stream.indirect.scatter.add.f32 [tilespmem:s21], [sflag:$0x3], $0x40, s1, s22, $0xb8;
	[tilespmem:$0x13000] =	vst v63  }
0x66: {  	_ =	swait.ge [sflag:s19], $0x2000  }
0x67: {  	[sflag:s19] =	ssyncset.done $0x0  }
0x68: {  	s1 =	sadd.s32 $0x100, s0;
	[sflag:s19] =	ssyncadd.s32 $0xFFFFE000  }
0x69: {  	[tilespmem:s21], [sflag:$0x1] =	stream.indirect.gather [hbm4b:s4+s22], $0x40, s1, s22, $0xb8;
	[tilespmem:$0x13000] =	vst v63  }
0x6a: {  	_ =	swait.ge [sflag:s26], $0x2000  }
0x6b: {  	[sflag:s26] =	ssyncset.done $0x0  }
.Ltmp1:
0x6c: {  	s1 =	sadd.s32 $0x2880, s0;
	[sflag:s26] =	ssyncadd.s32 $0xFFFFE000;
	(pc) =	sbr.rel @p0 .LBB2_4-.Ltmp1, $4  }
0x6d: {  	[spmem:s2] =	stream.indirect.scatter.add.f32 [tilespmem:s23], [sflag:$0x3], $0x40, s1, s22, $0xb8;
	[tilespmem:$0x13000] =	vst v63  }
0x6e: {  	_ =	swait.ge [sflag:s19], $0x2000  }
0x6f: {  	[sflag:s19] =	ssyncset.done $0x0  }
0x70: {  	s1 =	sadd.s32 $0x180, s0;
	[sflag:s19] =	ssyncadd.s32 $0xFFFFE000  }
0x71: {  	[tilespmem:s23], [sflag:$0x2] =	stream.indirect.gather [hbm4b:s4+s22], $0x40, s1, s22, $0xb8;
	[tilespmem:$0x13000] =	vst v63  }
0x72: {  	_ =	swait.ge [sflag:s24], $0x2000  }
0x73: {  	[sflag:s24] =	ssyncset.done $0x0  }
0x74: {  	[sflag:s24] =	ssyncadd.s32 $0xFFFFE000  }
0x75: {  	[spmem:s2] =	stream.indirect.scatter.add.f32 [tilespmem:s21], [sflag:$0x3], $0x40, s28, s22, $0xb8;
	[tilespmem:$0x13000] =	vst v63  }
0x76: {  	_ =	swait.ge [sflag:s19], $0x2000  }
0x77: {  	[sflag:s19] =	ssyncset.done $0x0  }
0x78: {  	[sflag:s19] =	ssyncadd.s32 $0xFFFFE000  }
0x79: {  	_ =	swait.ge [sflag:s26], $0x2000  }
0x7a: {  	[sflag:s26] =	ssyncset.done $0x0  }
0x7b: {  	[sflag:s26] =	ssyncadd.s32 $0xFFFFE000  }
0x7c: {  	[spmem:s2] =	stream.indirect.scatter.add.f32 [tilespmem:s23], [sflag:$0x3], $0x40, s29, s22, $0xb8;
	[tilespmem:$0x13000] =	vst v63  }
0x7d: {  	_ =	swait.ge [sflag:s19], $0x2000  }
0x7e: {  	s0 =	stileid.u32;
	s30 =	sadd.s32 $0x1, s30;
	[sflag:s19] =	ssyncset.done $0x0  }
0x7f: {  	s0 =	sshll.u32 s0, $0x6;
	p0 =	sne.s32 s30, s9;
	[sflag:s19] =	ssyncadd.s32 $0xFFFFE000  }
.Ltmp2:
0x80: {  	s0 =	sor.u32 $0x1C03, s0;
	[bflag:$0x0] =	sbarrier.arrive $0xFFFF;
	(pc) =	sbr.rel @p0 .LBB2_1-.Ltmp2, $4  }
0x81: {  	[hbm:s8], [sflag:s0] =	dma.local [spmem:s25], $0x1400  }
0x82: {  	_ =	swait.ge [sflag:s19], $0x1400  }
0x83: {  	[sflag:s19] =	ssyncset.done $0x0  }
0x84: {  	[sflag:s19] =	ssyncadd.s32 $0xFFFFEC00  }
0x85: {  	_ =	sfence.sel $0x180000  }
0x86: {  	[bflag:$0x0] =	sbarrier.arrive $0xFFFF  }
0x87: {  	_ =	strace $0x90000047  }
0x88: {  	s0 =	stileid.u32;
	[bflag:$0x2] =	sbarrier.arrive $0xFFFF  }
0x89: {  	p0 =	sne.s32 s0, $0x0;
	s0 =	rddreg [dreg:$0x5]  }
0x8a: {  	s0 =	sadd.s32 @!p0 $0x100000, s0  }
0x8b: {  	[sflag:s0] =	ssyncadd.tile.s32 @!p0 $0x1;
	_ =	shalt  }
.Lfunc_end2:
_tile_overlayer_lowered:
.L_overlay_start_2:
0x8c: {  	(tag) =	ssettag $0x2  }
0x8d: {  	s0 =	rddreg [dreg:$0x0];
	s2 =	stileid.u32  }
0x8e: {  	s1 =	rddreg [dreg:$0x1];
	p0 =	sne.s32 s2, $0x0  }
0x8f: {  	s3 =	rddreg [dreg:$0x2];
	[bflag:$0x3] =	sbarrier.arrive $0xFFFF;
	s2 =	simm.s32 @!p0 $0x1C03  }
0x90: {  	[timem:s3], [sflag:s2] =	dma.local @!p0 [hbm:s0], s1  }
0x91: {  	s0 =	simm.s32 @!p0 $0x3  }
0x92: {  	_ =	swait.ge @!p0 [sflag:s0], s1  }
0x93: {  	s1 =	ssub.s32 @!p0 $0x0, s1;
	[sflag:s0] =	ssyncset.done @!p0 $0x0  }
0x94: {  	[sflag:s0] =	ssyncadd.s32 @!p0 s1  }
0x95: {  	[bflag:$0x3] =	sbarrier.arrive $0xFFFF  }
0x96: {  	_ =	shalt  }

</sc_bundles>
